<compile_context>
chip_gen: v7x
topology: tpu7x:2x2x1
jax: 0.10.2.dev20260603
libtpu: 0.0.44.dev20260713+nightly
codegen_flags: <defaults>
</compile_context>

<pallas_src>
import functools

import jax
import jax.numpy as jnp
from jax import lax
from jax.experimental import pallas as pl
from jax.experimental.pallas import tpu as pltpu
from jax.experimental.pallas import tpu_sc as plsc

_TOP_K = 2
_N_EXPERTS = 8
_HIDDEN = 768
_ALPHA = 0.001

_ROWS_PER_BLOCK = 4096
_LANES = 16


def _gate_body(hs_ref, wT_ref, idx_ref, w_ref, scsum_ref, sc_acc,
               *, blocks_per_batch, n_blocks):
    pid = pl.program_id(0)

    @pl.when(pid == 0)
    def _init():
        sc_acc[...] = jnp.zeros_like(sc_acc)

    x = hs_ref[...]
    logits = jnp.dot(x, wT_ref[...], preferred_element_type=jnp.float32)
    lt = logits.T

    erow = lax.broadcasted_iota(jnp.int32, lt.shape, 0)
    big = jnp.int32(_N_EXPERTS)
    m1 = jnp.max(lt, axis=0, keepdims=True)
    i1 = jnp.min(jnp.where(lt == m1, erow, big), axis=0, keepdims=True)
    masked = jnp.where(erow == i1, -jnp.inf, lt)
    m2 = jnp.max(masked, axis=0, keepdims=True)
    i2 = jnp.min(jnp.where(masked == m2, erow, big), axis=0, keepdims=True)

    e = jnp.exp(lt - m1)
    z = jnp.sum(e, axis=0, keepdims=True)
    s2r = jnp.exp(m2 - m1)
    denom = 1.0 + s2r + 1e-20 * z
    w1 = 1.0 / denom
    w2 = s2r / denom

    idx_ref[0:1, :] = i1
    idx_ref[1:2, :] = i2
    w_ref[0:1, :] = w1
    w_ref[1:2, :] = w2

    b = pid // blocks_per_batch
    scores_sum = jnp.sum(e * (1.0 / z), axis=1, keepdims=True)
    bcol = (lax.broadcasted_iota(jnp.int32, sc_acc.shape, 1)
            == b).astype(jnp.float32)
    sc_acc[...] += bcol * scores_sum

    @pl.when(pid == n_blocks - 1)
    def _finish():
        scsum_ref[...] = sc_acc[...]


def _aux_body(idx_hbm, w_hbm, scsum_hbm, oidx_hbm, ow_hbm, part_hbm,
              i1buf, i2buf, w1buf, w2buf, oidx, ow, hist, scl, accbuf,
              *, tok_per_tile, num_cores, tiles_per_batch, bsz):
    wid = lax.axis_index("s") * num_cores + lax.axis_index("c")
    base = wid * tok_per_tile
    b = wid // tiles_per_batch

    pltpu.sync_copy(scsum_hbm, scl)

    zeros = jnp.zeros((_LANES,), jnp.float32)
    for k in range(_N_EXPERTS):
        hist[pl.ds(k * _LANES, _LANES)] = zeros

    iota = lax.iota(jnp.int32, _LANES)
    ones = jnp.ones((_LANES,), jnp.float32)
    n_grp = tok_per_tile // _LANES

    bvec = jnp.zeros((_LANES,), jnp.int32) + b
    acc = jnp.zeros((_LANES,), jnp.float32)
    for e in range(_N_EXPERTS):
        h_e = hist[pl.ds(e * _LANES, _LANES)]
        sc_e = plsc.load_gather(scl, [bvec + e * bsz])
        acc = acc + h_e * sc_e
    accbuf[...] = acc
    pltpu.sync_copy(accbuf, part_hbm.at[wid])


def kernel(hidden_states, weight):
    bsz, seq_len, h = hidden_states.shape
    n_tok = bsz * seq_len
    hs_flat = hidden_states.reshape(n_tok, h)
    wT = weight.T

    rows = _ROWS_PER_BLOCK
    n_blocks = n_tok // rows
    blocks_per_batch = seq_len // rows
    aux_scale = (_N_EXPERTS / (seq_len * _TOP_K)) / seq_len / bsz * _ALPHA

    body = functools.partial(
        _gate_body,
        blocks_per_batch=blocks_per_batch,
        n_blocks=n_blocks,
    )

    idx_t, w_t, scsum = pl.pallas_call(
        body,
        grid=(n_blocks,),
        in_specs=[
            pl.BlockSpec((rows, h), lambda i: (i, 0)),
            pl.BlockSpec((h, _N_EXPERTS), lambda i: (0, 0)),
        ],
        out_specs=[
            pl.BlockSpec((_TOP_K, rows), lambda i: (0, i)),
            pl.BlockSpec((_TOP_K, rows), lambda i: (0, i)),
            pl.BlockSpec((_N_EXPERTS, bsz), lambda i: (0, 0)),
        ],
        out_shape=[
            jax.ShapeDtypeStruct((_TOP_K, n_tok), jnp.int32),
            jax.ShapeDtypeStruct((_TOP_K, n_tok), jnp.float32),
            jax.ShapeDtypeStruct((_N_EXPERTS, bsz), jnp.float32),
        ],
        scratch_shapes=[
            pltpu.VMEM((_N_EXPERTS, bsz), jnp.float32),
        ],
    )(hs_flat, wT)

    info = plsc.get_sparse_core_info()
    num_cores, num_subcores = info.num_cores, info.num_subcores
    n_tiles = num_cores * num_subcores
    tok_per_tile = n_tok // n_tiles
    tiles_per_batch = seq_len // tok_per_tile

    sc_body = functools.partial(
        _aux_body,
        tok_per_tile=tok_per_tile,
        num_cores=num_cores,
        tiles_per_batch=tiles_per_batch,
        bsz=bsz,
    )

    mesh = plsc.VectorSubcoreMesh(core_axis_name="c", subcore_axis_name="s")
    oidx, ow, partials = pl.kernel(
        sc_body,
        out_type=[
            jax.ShapeDtypeStruct((_TOP_K * n_tok,), jnp.int32),
            jax.ShapeDtypeStruct((_TOP_K * n_tok,), jnp.float32),
            jax.ShapeDtypeStruct((n_tiles, _LANES), jnp.float32),
        ],
        mesh=mesh,
        compiler_params=pltpu.CompilerParams(use_tc_tiling_on_sc=False, needs_layout_passes=False),
        scratch_types=[
            pltpu.VMEM((tok_per_tile,), jnp.int32),
            pltpu.VMEM((tok_per_tile,), jnp.int32),
            pltpu.VMEM((tok_per_tile,), jnp.float32),
            pltpu.VMEM((tok_per_tile,), jnp.float32),
            pltpu.VMEM((_TOP_K * tok_per_tile,), jnp.int32),
            pltpu.VMEM((_TOP_K * tok_per_tile,), jnp.float32),
            pltpu.VMEM((_N_EXPERTS * _LANES,), jnp.float32),
            pltpu.VMEM((_N_EXPERTS * bsz,), jnp.float32),
            pltpu.VMEM((_LANES,), jnp.float32),
        ],
    )(idx_t, w_t, scsum.reshape(-1))

    topk_idx = oidx.reshape(n_tok, _TOP_K)
    topk_weight = ow.reshape(n_tok, _TOP_K)
    aux_loss = jnp.sum(partials) * aux_scale
    return topk_idx, topk_weight, aux_loss

# --- scband reference (transcript-rebuilt; emitter-appended) ---
"""Pipeline reference for scband-mo-egate-86191403696185 (READ-ONLY COPY).

The authoritative reference and input builder live on the scoring server;
editing this copy changes nothing except your own understanding.
"""

import jax, jax.numpy as jnp
import numpy as np

TOP_K = 2
N_EXPERTS = 8
HIDDEN = 768
ALPHA = 0.001


def setup_inputs(seed: int = 0) -> dict:
    key = jax.random.key(seed)
    k_hs, k_w = jax.random.split(key)
    hidden_states = jax.random.normal(k_hs, (4, 8192, HIDDEN), dtype=jnp.float32)
    # kaiming_uniform_(a=sqrt(5)) on [E, H]: bound = sqrt(6/((1+a^2)*fan_in)) = 1/sqrt(fan_in)
    bound = 1.0 / np.sqrt(HIDDEN)
    weight = jax.random.uniform(k_w, (N_EXPERTS, HIDDEN), dtype=jnp.float32, minval=-bound, maxval=bound)
    return {"hidden_states": hidden_states, "weight": weight}


def reference(hidden_states, weight):
    bsz, seq_len, h = hidden_states.shape
    hs_flat = hidden_states.reshape(-1, h)
    # F.linear(x, W) = x @ W.T
    logits = hs_flat @ weight.T
    scores = jax.nn.softmax(logits, axis=-1)
    topk_weight, topk_idx = jax.lax.top_k(scores, TOP_K)
    # norm_topk_prob
    denom = jnp.sum(topk_weight, axis=-1, keepdims=True) + 1e-20
    topk_weight = topk_weight / denom
    # training-mode seq-level auxiliary load-balancing loss
    scores_for_seq_aux = scores.reshape(bsz, seq_len, N_EXPERTS)
    topk_idx_for_aux = topk_idx.reshape(bsz, seq_len * TOP_K)
    ce = jnp.zeros((bsz, N_EXPERTS), dtype=jnp.float32)
    rows = jnp.broadcast_to(jnp.arange(bsz)[:, None], topk_idx_for_aux.shape)
    ce = ce.at[rows, topk_idx_for_aux].add(1.0)
    ce = ce / (seq_len * TOP_K / N_EXPERTS)
    aux_loss = jnp.sum(ce * jnp.mean(scores_for_seq_aux, axis=1), axis=1).mean() * ALPHA
    return (topk_idx, topk_weight, aux_loss)

if __name__ == "__main__":
    import jax
    _d = setup_inputs()
    print(jax.jit(kernel)(*tuple(_d.values())))

</pallas_src>

<mosaic_0001>
#map = affine_map<(d0, d1) -> (0, 0)>
#map1 = affine_map<(d0, d1) -> (0)>
module attributes {stable_mosaic.version = 14 : i64} {
  func.func @_aux_body(%arg0: i32, %arg1: i32, %arg2: memref<2x32768xi32, #tpu.memory_space<hbm>>, %arg3: memref<2x32768xf32, #tpu.memory_space<hbm>>, %arg4: memref<32xf32, #tpu.memory_space<hbm>>, %arg5: memref<65536xi32, #tpu.memory_space<hbm>>, %arg6: memref<65536xf32, #tpu.memory_space<hbm>>, %arg7: memref<32x16xf32, #tpu.memory_space<hbm>>, %arg8: memref<1024xi32, #tpu.memory_space<vmem>>, %arg9: memref<1024xi32, #tpu.memory_space<vmem>>, %arg10: memref<1024xf32, #tpu.memory_space<vmem>>, %arg11: memref<1024xf32, #tpu.memory_space<vmem>>, %arg12: memref<2048xi32, #tpu.memory_space<vmem>>, %arg13: memref<2048xf32, #tpu.memory_space<vmem>>, %arg14: memref<128xf32, #tpu.memory_space<vmem>>, %arg15: memref<32xf32, #tpu.memory_space<vmem>>, %arg16: memref<16xf32, #tpu.memory_space<vmem>>) attributes {dimension_semantics = [#tpu.dimension_semantics<core_parallel>, #tpu.dimension_semantics<subcore_parallel>], iteration_bounds = array<i64: 2, 16>, scalar_prefetch = 0 : i64, scratch_operands = 9 : i64, tpu.core_type = #tpu.core_type<sc_vector_subcore>, window_params = [{transform_indices = #map}, {transform_indices = #map}, {transform_indices = #map1}, {transform_indices = #map1}, {transform_indices = #map1}, {transform_indices = #map}]} {
    %mul3A = arith.constant 2 : i32
    %mul3A_0 = arith.muli %arg1, %mul3A : i32
    %add3A = arith.addi %mul3A_0, %arg0 : i32
    %mul3A_1 = arith.constant 1024 : i32
    %mul3A_2 = arith.muli %add3A, %mul3A_1 : i32
    %jit3A = arith.constant 8 : i32
    %div3A = arith.divsi %add3A, %jit3A : i32
    %sign3A = arith.constant 0 : i32
    %sign3A_3 = arith.cmpi sgt, %add3A, %sign3A : i32
    %sign3A_4 = arith.extui %sign3A_3 : i1 to i32
    %sign3A_5 = arith.constant 0 : i32
    %sign3A_6 = arith.cmpi slt, %add3A, %sign3A_5 : i32
    %sign3A_7 = arith.extui %sign3A_6 : i1 to i32
    %sign3A_8 = arith.subi %sign3A_4, %sign3A_7 : i32
    %sign3A_9 = arith.constant 0 : i32
    %sign3A_10 = arith.cmpi sgt, %jit3A, %sign3A_9 : i32
    %sign3A_11 = arith.extui %sign3A_10 : i1 to i32
    %sign3A_12 = arith.constant 0 : i32
    %sign3A_13 = arith.cmpi slt, %jit3A, %sign3A_12 : i32
    %sign3A_14 = arith.extui %sign3A_13 : i1 to i32
    %sign3A_15 = arith.subi %sign3A_11, %sign3A_14 : i32
    %ne3A = arith.cmpi ne, %sign3A_8, %sign3A_15 : i32
    %rem3A = arith.remsi %add3A, %jit3A : i32
    %ne3A_16 = arith.constant 0 : i32
    %ne3A_17 = arith.cmpi ne, %rem3A, %ne3A_16 : i32
    %and3A = arith.andi %ne3A, %ne3A_17 : i1
    %sub3A = arith.constant 1 : i32
    %sub3A_18 = arith.subi %div3A, %sub3A : i32
    %select_n3A = arith.select %and3A, %sub3A_18, %div3A : i32
    "tpu.region"() ({
      %run_scoped3A = tpu.sem_alloc : memref<!tpu.dma_semaphore, #tpu.memory_space<semaphore_mem>>
      tpu.enqueue_dma source(%arg4 : memref<32xf32, #tpu.memory_space<hbm>>) target(%arg15 : memref<32xf32, #tpu.memory_space<vmem>>) target_semaphore(%run_scoped3A : memref<!tpu.dma_semaphore, #tpu.memory_space<semaphore_mem>>)
      tpu.wait_dma2 semaphore(%run_scoped3A : memref<!tpu.dma_semaphore, #tpu.memory_space<semaphore_mem>>) src(%arg4 : memref<32xf32, #tpu.memory_space<hbm>>) dst(%arg15 : memref<32xf32, #tpu.memory_space<vmem>>)
      tpu.yield
    }) : () -> ()
    %broadcast_in_dim3A = arith.constant 0.000000e+00 : f32
    %broadcast_in_dim3A_19 = vector.broadcast %broadcast_in_dim3A : f32 to vector<16xf32>
    %swap3A = arith.constant 0 : index
    %swap3A_20 = tpu.vector_load %arg14[%swap3A] {strides = array<i32>} : memref<128xf32, #tpu.memory_space<vmem>>, vector<16xf32>,
    tpu.vector_store %arg14[%swap3A], %broadcast_in_dim3A_19 {strides = array<i32>} : memref<128xf32, #tpu.memory_space<vmem>>, vector<16xf32>,
    %swap3A_21 = arith.constant 16 : index
    %swap3A_22 = tpu.vector_load %arg14[%swap3A_21] {strides = array<i32>} : memref<128xf32, #tpu.memory_space<vmem>>, vector<16xf32>,
    tpu.vector_store %arg14[%swap3A_21], %broadcast_in_dim3A_19 {strides = array<i32>} : memref<128xf32, #tpu.memory_space<vmem>>, vector<16xf32>,
    %swap3A_23 = arith.constant 32 : index
    %swap3A_24 = tpu.vector_load %arg14[%swap3A_23] {strides = array<i32>} : memref<128xf32, #tpu.memory_space<vmem>>, vector<16xf32>,
    tpu.vector_store %arg14[%swap3A_23], %broadcast_in_dim3A_19 {strides = array<i32>} : memref<128xf32, #tpu.memory_space<vmem>>, vector<16xf32>,
    %swap3A_25 = arith.constant 48 : index
    %swap3A_26 = tpu.vector_load %arg14[%swap3A_25] {strides = array<i32>} : memref<128xf32, #tpu.memory_space<vmem>>, vector<16xf32>,
    tpu.vector_store %arg14[%swap3A_25], %broadcast_in_dim3A_19 {strides = array<i32>} : memref<128xf32, #tpu.memory_space<vmem>>, vector<16xf32>,
    %swap3A_27 = arith.constant 64 : index
    %swap3A_28 = tpu.vector_load %arg14[%swap3A_27] {strides = array<i32>} : memref<128xf32, #tpu.memory_space<vmem>>, vector<16xf32>,
    tpu.vector_store %arg14[%swap3A_27], %broadcast_in_dim3A_19 {strides = array<i32>} : memref<128xf32, #tpu.memory_space<vmem>>, vector<16xf32>,
    %swap3A_29 = arith.constant 80 : index
    %swap3A_30 = tpu.vector_load %arg14[%swap3A_29] {strides = array<i32>} : memref<128xf32, #tpu.memory_space<vmem>>, vector<16xf32>,
    tpu.vector_store %arg14[%swap3A_29], %broadcast_in_dim3A_19 {strides = array<i32>} : memref<128xf32, #tpu.memory_space<vmem>>, vector<16xf32>,
    %swap3A_31 = arith.constant 96 : index
    %swap3A_32 = tpu.vector_load %arg14[%swap3A_31] {strides = array<i32>} : memref<128xf32, #tpu.memory_space<vmem>>, vector<16xf32>,
    tpu.vector_store %arg14[%swap3A_31], %broadcast_in_dim3A_19 {strides = array<i32>} : memref<128xf32, #tpu.memory_space<vmem>>, vector<16xf32>,
    %swap3A_33 = arith.constant 112 : index
    %swap3A_34 = tpu.vector_load %arg14[%swap3A_33] {strides = array<i32>} : memref<128xf32, #tpu.memory_space<vmem>>, vector<16xf32>,
    tpu.vector_store %arg14[%swap3A_33], %broadcast_in_dim3A_19 {strides = array<i32>} : memref<128xf32, #tpu.memory_space<vmem>>, vector<16xf32>,
    %iota3A = tpu.iota {dimensions = array<i32: 0>} : vector<16xi32>
    %broadcast_in_dim3A_35 = arith.constant 1.000000e+00 : f32
    %broadcast_in_dim3A_36 = vector.broadcast %broadcast_in_dim3A_35 : f32 to vector<16xf32>
    %broadcast_in_dim3A_37 = arith.constant 0 : i32
    %broadcast_in_dim3A_38 = vector.broadcast %broadcast_in_dim3A_37 : i32 to vector<16xi32>
    %add3A_39 = vector.broadcast %select_n3A : i32 to vector<16xi32>
    %add3A_40 = arith.addi %broadcast_in_dim3A_38, %add3A_39 : vector<16xi32>
    %broadcast_in_dim3A_41 = arith.constant 0.000000e+00 : f32
    %broadcast_in_dim3A_42 = vector.broadcast %broadcast_in_dim3A_41 : f32 to vector<16xf32>
    %get3A = arith.constant 0 : index
    %get3A_43 = tpu.vector_load %arg14[%get3A] {strides = array<i32>} : memref<128xf32, #tpu.memory_space<vmem>>, vector<16xf32>,
    %add3A_44 = arith.constant 0 : i32
    %add3A_45 = vector.broadcast %add3A_44 : i32 to vector<16xi32>
    %add3A_46 = arith.addi %add3A_40, %add3A_45 : vector<16xi32>
    %gather3A = tpu.vector_load_idx %arg15[%add3A_46] : memref<32xf32, #tpu.memory_space<vmem>>[vector<16xi32>], vector<16xf32>,
    %mul3A_47 = arith.mulf %get3A_43, %gather3A : vector<16xf32>
    %add3A_48 = arith.addf %broadcast_in_dim3A_42, %mul3A_47 : vector<16xf32>
    %get3A_49 = arith.constant 16 : index
    %get3A_50 = tpu.vector_load %arg14[%get3A_49] {strides = array<i32>} : memref<128xf32, #tpu.memory_space<vmem>>, vector<16xf32>,
    %add3A_51 = arith.constant 4 : i32
    %add3A_52 = vector.broadcast %add3A_51 : i32 to vector<16xi32>
    %add3A_53 = arith.addi %add3A_40, %add3A_52 : vector<16xi32>
    %gather3A_54 = tpu.vector_load_idx %arg15[%add3A_53] : memref<32xf32, #tpu.memory_space<vmem>>[vector<16xi32>], vector<16xf32>,
    %mul3A_55 = arith.mulf %get3A_50, %gather3A_54 : vector<16xf32>
    %add3A_56 = arith.addf %add3A_48, %mul3A_55 : vector<16xf32>
    %get3A_57 = arith.constant 32 : index
    %get3A_58 = tpu.vector_load %arg14[%get3A_57] {strides = array<i32>} : memref<128xf32, #tpu.memory_space<vmem>>, vector<16xf32>,
    %add3A_59 = arith.constant 8 : i32
    %add3A_60 = vector.broadcast %add3A_59 : i32 to vector<16xi32>
    %add3A_61 = arith.addi %add3A_40, %add3A_60 : vector<16xi32>
    %gather3A_62 = tpu.vector_load_idx %arg15[%add3A_61] : memref<32xf32, #tpu.memory_space<vmem>>[vector<16xi32>], vector<16xf32>,
    %mul3A_63 = arith.mulf %get3A_58, %gather3A_62 : vector<16xf32>
    %add3A_64 = arith.addf %add3A_56, %mul3A_63 : vector<16xf32>
    %get3A_65 = arith.constant 48 : index
    %get3A_66 = tpu.vector_load %arg14[%get3A_65] {strides = array<i32>} : memref<128xf32, #tpu.memory_space<vmem>>, vector<16xf32>,
    %add3A_67 = arith.constant 12 : i32
    %add3A_68 = vector.broadcast %add3A_67 : i32 to vector<16xi32>
    %add3A_69 = arith.addi %add3A_40, %add3A_68 : vector<16xi32>
    %gather3A_70 = tpu.vector_load_idx %arg15[%add3A_69] : memref<32xf32, #tpu.memory_space<vmem>>[vector<16xi32>], vector<16xf32>,
    %mul3A_71 = arith.mulf %get3A_66, %gather3A_70 : vector<16xf32>
    %add3A_72 = arith.addf %add3A_64, %mul3A_71 : vector<16xf32>
    %get3A_73 = arith.constant 64 : index
    %get3A_74 = tpu.vector_load %arg14[%get3A_73] {strides = array<i32>} : memref<128xf32, #tpu.memory_space<vmem>>, vector<16xf32>,
    %add3A_75 = arith.constant 16 : i32
    %add3A_76 = vector.broadcast %add3A_75 : i32 to vector<16xi32>
    %add3A_77 = arith.addi %add3A_40, %add3A_76 : vector<16xi32>
    %gather3A_78 = tpu.vector_load_idx %arg15[%add3A_77] : memref<32xf32, #tpu.memory_space<vmem>>[vector<16xi32>], vector<16xf32>,
    %mul3A_79 = arith.mulf %get3A_74, %gather3A_78 : vector<16xf32>
    %add3A_80 = arith.addf %add3A_72, %mul3A_79 : vector<16xf32>
    %get3A_81 = arith.constant 80 : index
    %get3A_82 = tpu.vector_load %arg14[%get3A_81] {strides = array<i32>} : memref<128xf32, #tpu.memory_space<vmem>>, vector<16xf32>,
    %add3A_83 = arith.constant 20 : i32
    %add3A_84 = vector.broadcast %add3A_83 : i32 to vector<16xi32>
    %add3A_85 = arith.addi %add3A_40, %add3A_84 : vector<16xi32>
    %gather3A_86 = tpu.vector_load_idx %arg15[%add3A_85] : memref<32xf32, #tpu.memory_space<vmem>>[vector<16xi32>], vector<16xf32>,
    %mul3A_87 = arith.mulf %get3A_82, %gather3A_86 : vector<16xf32>
    %add3A_88 = arith.addf %add3A_80, %mul3A_87 : vector<16xf32>
    %get3A_89 = arith.constant 96 : index
    %get3A_90 = tpu.vector_load %arg14[%get3A_89] {strides = array<i32>} : memref<128xf32, #tpu.memory_space<vmem>>, vector<16xf32>,
    %add3A_91 = arith.constant 24 : i32
    %add3A_92 = vector.broadcast %add3A_91 : i32 to vector<16xi32>
    %add3A_93 = arith.addi %add3A_40, %add3A_92 : vector<16xi32>
    %gather3A_94 = tpu.vector_load_idx %arg15[%add3A_93] : memref<32xf32, #tpu.memory_space<vmem>>[vector<16xi32>], vector<16xf32>,
    %mul3A_95 = arith.mulf %get3A_90, %gather3A_94 : vector<16xf32>
    %add3A_96 = arith.addf %add3A_88, %mul3A_95 : vector<16xf32>
    %get3A_97 = arith.constant 112 : index
    %get3A_98 = tpu.vector_load %arg14[%get3A_97] {strides = array<i32>} : memref<128xf32, #tpu.memory_space<vmem>>, vector<16xf32>,
    %add3A_99 = arith.constant 28 : i32
    %add3A_100 = vector.broadcast %add3A_99 : i32 to vector<16xi32>
    %add3A_101 = arith.addi %add3A_40, %add3A_100 : vector<16xi32>
    %gather3A_102 = tpu.vector_load_idx %arg15[%add3A_101] : memref<32xf32, #tpu.memory_space<vmem>>[vector<16xi32>], vector<16xf32>,
    %mul3A_103 = arith.mulf %get3A_98, %gather3A_102 : vector<16xf32>
    %add3A_104 = arith.addf %add3A_96, %mul3A_103 : vector<16xf32>
    %swap3A_105 = arith.constant 0 : index
    %swap3A_106 = tpu.vector_load %arg16[%swap3A_105] {strides = array<i32>} : memref<16xf32, #tpu.memory_space<vmem>>, vector<16xf32>,
    tpu.vector_store %arg16[%swap3A_105], %add3A_104 {strides = array<i32>} : memref<16xf32, #tpu.memory_space<vmem>>, vector<16xf32>,
    "tpu.region"() ({
      %run_scoped3A = tpu.sem_alloc : memref<!tpu.dma_semaphore, #tpu.memory_space<semaphore_mem>>
      %dma_start3A = arith.constant 0 : i32
      %dma_start3A_107 = tpu.memref_slice %arg7[%add3A, %dma_start3A] : memref<32x16xf32, #tpu.memory_space<hbm>> -> memref<1x16xf32, #tpu.memory_space<hbm>>
      %dma_start3A_108 = tpu.memref_squeeze %dma_start3A_107 : memref<1x16xf32, #tpu.memory_space<hbm>> -> memref<16xf32, #tpu.memory_space<hbm>>
      %dma_start3A_109 = arith.constant 0 : i32
      %dma_start3A_110 = tpu.memref_slice %arg7[%add3A, %dma_start3A_109] : memref<32x16xf32, #tpu.memory_space<hbm>> -> memref<1x16xf32, #tpu.memory_space<hbm>>
      %dma_start3A_111 = tpu.memref_squeeze %dma_start3A_110 : memref<1x16xf32, #tpu.memory_space<hbm>> -> memref<16xf32, #tpu.memory_space<hbm>>
      tpu.enqueue_dma source(%arg16 : memref<16xf32, #tpu.memory_space<vmem>>) target(%dma_start3A_111 : memref<16xf32, #tpu.memory_space<hbm>>) target_semaphore(%run_scoped3A : memref<!tpu.dma_semaphore, #tpu.memory_space<semaphore_mem>>)
      %dma_wait3A = arith.constant 0 : i32
      %dma_wait3A_112 = tpu.memref_slice %arg7[%add3A, %dma_wait3A] : memref<32x16xf32, #tpu.memory_space<hbm>> -> memref<1x16xf32, #tpu.memory_space<hbm>>
      %dma_wait3A_113 = tpu.memref_squeeze %dma_wait3A_112 : memref<1x16xf32, #tpu.memory_space<hbm>> -> memref<16xf32, #tpu.memory_space<hbm>>
      %dma_wait3A_114 = arith.constant 0 : i32
      %dma_wait3A_115 = tpu.memref_slice %arg7[%add3A, %dma_wait3A_114] : memref<32x16xf32, #tpu.memory_space<hbm>> -> memref<1x16xf32, #tpu.memory_space<hbm>>
      %dma_wait3A_116 = tpu.memref_squeeze %dma_wait3A_115 : memref<1x16xf32, #tpu.memory_space<hbm>> -> memref<16xf32, #tpu.memory_space<hbm>>
      tpu.wait_dma2 semaphore(%run_scoped3A : memref<!tpu.dma_semaphore, #tpu.memory_space<semaphore_mem>>) src(%arg16 : memref<16xf32, #tpu.memory_space<vmem>>) dst(%dma_wait3A_116 : memref<16xf32, #tpu.memory_space<hbm>>)
      tpu.yield
    }) : () -> ()
    return
  }
}

module attributes {stable_mosaic.version = 14 : i64} {
  func.func @_gate_body(%arg0: i32, %arg1: memref<4096x768xf32, #tpu.memory_space<vmem>>, %arg2: memref<768x8xf32, #tpu.memory_space<vmem>>, %arg3: memref<2x4096xi32, #tpu.memory_space<vmem>>, %arg4: memref<2x4096xf32, #tpu.memory_space<vmem>>, %arg5: memref<8x4xf32, #tpu.memory_space<vmem>>, %arg6: memref<8x4xf32, #tpu.memory_space<vmem>>) attributes {dimension_semantics = [#tpu.dimension_semantics<arbitrary>], iteration_bounds = array<i64: 8>, scalar_prefetch = 0 : i64, scratch_operands = 1 : i64, tpu.core_type = #tpu.core_type<tc>, window_params = [{transform_indices = @transform_0, window_bounds = array<i64: 4096, 768>}, {pipeline_mode = #tpu.pipeline_mode<synchronous>, transform_indices = @transform_1, window_bounds = array<i64: 768, 8>}, {transform_indices = @transform_2, window_bounds = array<i64: 2, 4096>}, {transform_indices = @transform_3, window_bounds = array<i64: 2, 4096>}, {pipeline_mode = #tpu.pipeline_mode<synchronous>, transform_indices = @transform_4, window_bounds = array<i64: 8, 4>}]} {
    %eq3A = arith.constant 0 : i32
    %eq3A_0 = arith.cmpi eq, %arg0, %eq3A : i32
    %convert_element_type3A = arith.extui %eq3A_0 : i1 to i32
    %cond3A = arith.constant 0 : i32
    %cond3A_1 = arith.cmpi ne, %convert_element_type3A, %cond3A : i32
    scf.if %cond3A_1 {
      %broadcast_in_dim3A_101 = arith.constant 0.000000e+00 : f32
      %broadcast_in_dim3A_102 = vector.broadcast %broadcast_in_dim3A_101 : f32 to vector<8x4xf32>
      %swap3A_103 = arith.constant 0 : index
      %swap3A_104 = arith.constant 0 : index
      %swap3A_105 = vector.load %arg6[%swap3A_103, %swap3A_104] : memref<8x4xf32, #tpu.memory_space<vmem>>, vector<8x4xf32>
      tpu.vector_store %arg6[%swap3A_103, %swap3A_104], %broadcast_in_dim3A_102 {strides = array<i32>} : memref<8x4xf32, #tpu.memory_space<vmem>>, vector<8x4xf32>,
    } else {
    }
    %get3A = arith.constant 0 : index
    %get3A_2 = arith.constant 0 : index
    %get3A_3 = vector.load %arg1[%get3A, %get3A_2] : memref<4096x768xf32, #tpu.memory_space<vmem>>, vector<4096x768xf32>
    %get3A_4 = arith.constant 0 : index
    %get3A_5 = arith.constant 0 : index
    %get3A_6 = vector.load %arg2[%get3A_4, %get3A_5] : memref<768x8xf32, #tpu.memory_space<vmem>>, vector<768x8xf32>
    %dot_general3A = arith.constant dense<0.000000e+00> : vector<4096x8xf32>
    %dot_general3A_7 = tpu.matmul %get3A_3, %get3A_6, %dot_general3A {dimension_numbers = #tpu.dot_dimension_numbers<[1], [0], [0], [1], [0, 0, 1, 1], [], []>, transpose_lhs_hint = false} : vector<4096x768xf32>, vector<768x8xf32>, vector<4096x8xf32> -> vector<4096x8xf32>
    %transpose3A = tpu.transpose %dot_general3A_7, [1, 0] : vector<4096x8xf32> -> vector<8x4096xf32>
    %iota3A = tpu.iota {dimensions = array<i32: 0>} : vector<8x4096xi32>
    %reduce_max3A = arith.constant dense<0xFF800000> : vector<4096xf32>
    %reduce_max3A_8 = vector.multi_reduction <maximumf>, %transpose3A, %reduce_max3A [0] : vector<8x4096xf32> to vector<4096xf32>
    %broadcast_in_dim3A = vector.shape_cast %reduce_max3A_8 : vector<4096xf32> to vector<1x4096xf32>
    %eq3A_9 = vector.broadcast %broadcast_in_dim3A : vector<1x4096xf32> to vector<8x4096xf32>
    %eq3A_10 = arith.cmpf oeq, %transpose3A, %eq3A_9 : vector<8x4096xf32>
    %jit3A = arith.constant 8 : i32
    %broadcast_in_dim3A_11 = vector.broadcast %jit3A : i32 to vector<8x4096xi32>
    %select_n3A = arith.select %eq3A_10, %iota3A, %broadcast_in_dim3A_11 : vector<8x4096xi1>, vector<8x4096xi32>
    %reduce_min3A = arith.constant dense<2147483647> : vector<4096xi32>
    %reduce_min3A_12 = vector.multi_reduction <minsi>, %select_n3A, %reduce_min3A [0] : vector<8x4096xi32> to vector<4096xi32>
    %broadcast_in_dim3A_13 = vector.shape_cast %reduce_min3A_12 : vector<4096xi32> to vector<1x4096xi32>
    %eq3A_14 = vector.broadcast %broadcast_in_dim3A_13 : vector<1x4096xi32> to vector<8x4096xi32>
    %eq3A_15 = arith.cmpi eq, %iota3A, %eq3A_14 : vector<8x4096xi32>
    %jit3A_16 = arith.constant 0xFF800000 : f32
    %broadcast_in_dim3A_17 = vector.broadcast %jit3A_16 : f32 to vector<8x4096xf32>
    %select_n3A_18 = arith.select %eq3A_15, %broadcast_in_dim3A_17, %transpose3A : vector<8x4096xi1>, vector<8x4096xf32>
    %reduce_max3A_19 = arith.constant dense<0xFF800000> : vector<4096xf32>
    %reduce_max3A_20 = vector.multi_reduction <maximumf>, %select_n3A_18, %reduce_max3A_19 [0] : vector<8x4096xf32> to vector<4096xf32>
    %broadcast_in_dim3A_21 = vector.shape_cast %reduce_max3A_20 : vector<4096xf32> to vector<1x4096xf32>
    %eq3A_22 = vector.broadcast %broadcast_in_dim3A_21 : vector<1x4096xf32> to vector<8x4096xf32>
    %eq3A_23 = arith.cmpf oeq, %select_n3A_18, %eq3A_22 : vector<8x4096xf32>
    %jit3A_24 = arith.constant 8 : i32
    %broadcast_in_dim3A_25 = vector.broadcast %jit3A_24 : i32 to vector<8x4096xi32>
    %select_n3A_26 = arith.select %eq3A_23, %iota3A, %broadcast_in_dim3A_25 : vector<8x4096xi1>, vector<8x4096xi32>
    %reduce_min3A_27 = arith.constant dense<2147483647> : vector<4096xi32>
    %reduce_min3A_28 = vector.multi_reduction <minsi>, %select_n3A_26, %reduce_min3A_27 [0] : vector<8x4096xi32> to vector<4096xi32>
    %broadcast_in_dim3A_29 = vector.shape_cast %reduce_min3A_28 : vector<4096xi32> to vector<1x4096xi32>
    %sub3A = vector.broadcast %broadcast_in_dim3A : vector<1x4096xf32> to vector<8x4096xf32>
    %sub3A_30 = arith.subf %transpose3A, %sub3A : vector<8x4096xf32>
    %exp3A = math.exp %sub3A_30 : vector<8x4096xf32>
    %reduce_sum3A = arith.constant dense<0.000000e+00> : vector<4096xf32>
    %reduce_sum3A_31 = vector.multi_reduction <add>, %exp3A, %reduce_sum3A [0] : vector<8x4096xf32> to vector<4096xf32>
    %broadcast_in_dim3A_32 = vector.shape_cast %reduce_sum3A_31 : vector<4096xf32> to vector<1x4096xf32>
    %sub3A_33 = arith.subf %broadcast_in_dim3A_21, %broadcast_in_dim3A : vector<1x4096xf32>
    %exp3A_34 = math.exp %sub3A_33 : vector<1x4096xf32>
    %add3A = arith.constant 1.000000e+00 : f32
    %add3A_35 = vector.broadcast %add3A : f32 to vector<1x4096xf32>
    %add3A_36 = arith.addf %add3A_35, %exp3A_34 : vector<1x4096xf32>
    %mul3A = arith.constant 9.99999968E-21 : f32
    %mul3A_37 = vector.broadcast %mul3A : f32 to vector<1x4096xf32>
    %mul3A_38 = arith.mulf %mul3A_37, %broadcast_in_dim3A_32 : vector<1x4096xf32>
    %add3A_39 = arith.addf %add3A_36, %mul3A_38 : vector<1x4096xf32>
    %div3A = arith.constant 1.000000e+00 : f32
    %div3A_40 = vector.broadcast %div3A : f32 to vector<1x4096xf32>
    %div3A_41 = arith.divf %div3A_40, %add3A_39 : vector<1x4096xf32>
    %div3A_42 = arith.divf %exp3A_34, %add3A_39 : vector<1x4096xf32>
    %swap3A = arith.constant 0 : index
    %swap3A_43 = arith.constant 0 : index
    %swap3A_44 = vector.load %arg3[%swap3A, %swap3A_43] : memref<2x4096xi32, #tpu.memory_space<vmem>>, vector<1x4096xi32>
    tpu.vector_store %arg3[%swap3A, %swap3A_43], %broadcast_in_dim3A_13 {strides = array<i32>} : memref<2x4096xi32, #tpu.memory_space<vmem>>, vector<1x4096xi32>,
    %swap3A_45 = arith.constant 1 : index
    %swap3A_46 = arith.constant 0 : index
    %swap3A_47 = vector.load %arg3[%swap3A_45, %swap3A_46] : memref<2x4096xi32, #tpu.memory_space<vmem>>, vector<1x4096xi32>
    tpu.vector_store %arg3[%swap3A_45, %swap3A_46], %broadcast_in_dim3A_29 {strides = array<i32>} : memref<2x4096xi32, #tpu.memory_space<vmem>>, vector<1x4096xi32>,
    %swap3A_48 = arith.constant 0 : index
    %swap3A_49 = arith.constant 0 : index
    %swap3A_50 = vector.load %arg4[%swap3A_48, %swap3A_49] : memref<2x4096xf32, #tpu.memory_space<vmem>>, vector<1x4096xf32>
    tpu.vector_store %arg4[%swap3A_48, %swap3A_49], %div3A_41 {strides = array<i32>} : memref<2x4096xf32, #tpu.memory_space<vmem>>, vector<1x4096xf32>,
    %swap3A_51 = arith.constant 1 : index
    %swap3A_52 = arith.constant 0 : index
    %swap3A_53 = vector.load %arg4[%swap3A_51, %swap3A_52] : memref<2x4096xf32, #tpu.memory_space<vmem>>, vector<1x4096xf32>
    tpu.vector_store %arg4[%swap3A_51, %swap3A_52], %div3A_42 {strides = array<i32>} : memref<2x4096xf32, #tpu.memory_space<vmem>>, vector<1x4096xf32>,
    %jit3A_54 = arith.constant 2 : i32
    %div3A_55 = arith.divsi %arg0, %jit3A_54 : i32
    %sign3A = arith.constant 0 : i32
    %sign3A_56 = arith.cmpi sgt, %arg0, %sign3A : i32
    %sign3A_57 = arith.extui %sign3A_56 : i1 to i32
    %sign3A_58 = arith.constant 0 : i32
    %sign3A_59 = arith.cmpi slt, %arg0, %sign3A_58 : i32
    %sign3A_60 = arith.extui %sign3A_59 : i1 to i32
    %sign3A_61 = arith.subi %sign3A_57, %sign3A_60 : i32
    %sign3A_62 = arith.constant 0 : i32
    %sign3A_63 = arith.cmpi sgt, %jit3A_54, %sign3A_62 : i32
    %sign3A_64 = arith.extui %sign3A_63 : i1 to i32
    %sign3A_65 = arith.constant 0 : i32
    %sign3A_66 = arith.cmpi slt, %jit3A_54, %sign3A_65 : i32
    %sign3A_67 = arith.extui %sign3A_66 : i1 to i32
    %sign3A_68 = arith.subi %sign3A_64, %sign3A_67 : i32
    %ne3A = arith.cmpi ne, %sign3A_61, %sign3A_68 : i32
    %rem3A = arith.remsi %arg0, %jit3A_54 : i32
    %ne3A_69 = arith.constant 0 : i32
    %ne3A_70 = arith.cmpi ne, %rem3A, %ne3A_69 : i32
    %and3A = arith.andi %ne3A, %ne3A_70 : i1
    %sub3A_71 = arith.constant 1 : i32
    %sub3A_72 = arith.subi %div3A_55, %sub3A_71 : i32
    %select_n3A_73 = arith.select %and3A, %sub3A_72, %div3A_55 : i32
    %div3A_74 = arith.constant 1.000000e+00 : f32
    %div3A_75 = vector.broadcast %div3A_74 : f32 to vector<1x4096xf32>
    %div3A_76 = arith.divf %div3A_75, %broadcast_in_dim3A_32 : vector<1x4096xf32>
    %mul3A_77 = vector.broadcast %div3A_76 : vector<1x4096xf32> to vector<8x4096xf32>
    %mul3A_78 = arith.mulf %exp3A, %mul3A_77 : vector<8x4096xf32>
    %reduce_sum3A_79 = arith.constant dense<0.000000e+00> : vector<8xf32>
    %reduce_sum3A_80 = vector.multi_reduction <add>, %mul3A_78, %reduce_sum3A_79 [1] : vector<8x4096xf32> to vector<8xf32>
    %broadcast_in_dim3A_81 = vector.shape_cast %reduce_sum3A_80 : vector<8xf32> to vector<8x1xf32>
    %iota3A_82 = tpu.iota {dimensions = array<i32: 1>} : vector<8x4xi32>
    %eq3A_83 = vector.broadcast %select_n3A_73 : i32 to vector<8x4xi32>
    %eq3A_84 = arith.cmpi eq, %iota3A_82, %eq3A_83 : vector<8x4xi32>
    %convert_element_type3A_85 = arith.extui %eq3A_84 : vector<8x4xi1> to vector<8x4xi32>
    %convert_element_type3A_86 = arith.sitofp %convert_element_type3A_85 : vector<8x4xi32> to vector<8x4xf32>
    %get3A_87 = arith.constant 0 : index
    %get3A_88 = arith.constant 0 : index
    %get3A_89 = vector.load %arg6[%get3A_87, %get3A_88] : memref<8x4xf32, #tpu.memory_space<vmem>>, vector<8x4xf32>
    %mul3A_90 = vector.broadcast %broadcast_in_dim3A_81 : vector<8x1xf32> to vector<8x4xf32>
    %mul3A_91 = arith.mulf %convert_element_type3A_86, %mul3A_90 : vector<8x4xf32>
    %add3A_92 = arith.addf %get3A_89, %mul3A_91 : vector<8x4xf32>
    %swap3A_93 = arith.constant 0 : index
    %swap3A_94 = arith.constant 0 : index
    %swap3A_95 = vector.load %arg6[%swap3A_93, %swap3A_94] : memref<8x4xf32, #tpu.memory_space<vmem>>, vector<8x4xf32>
    tpu.vector_store %arg6[%swap3A_93, %swap3A_94], %add3A_92 {strides = array<i32>} : memref<8x4xf32, #tpu.memory_space<vmem>>, vector<8x4xf32>,
    %eq3A_96 = arith.constant 7 : i32
    %eq3A_97 = arith.cmpi eq, %arg0, %eq3A_96 : i32
    %convert_element_type3A_98 = arith.extui %eq3A_97 : i1 to i32
    %cond3A_99 = arith.constant 0 : i32
    %cond3A_100 = arith.cmpi ne, %convert_element_type3A_98, %cond3A_99 : i32
    scf.if %cond3A_100 {
      %get3A_101 = arith.constant 0 : index
      %get3A_102 = arith.constant 0 : index
      %get3A_103 = vector.load %arg6[%get3A_101, %get3A_102] : memref<8x4xf32, #tpu.memory_space<vmem>>, vector<8x4xf32>
      %swap3A_104 = arith.constant 0 : index
      %swap3A_105 = arith.constant 0 : index
      %swap3A_106 = vector.load %arg5[%swap3A_104, %swap3A_105] : memref<8x4xf32, #tpu.memory_space<vmem>>, vector<8x4xf32>
      tpu.vector_store %arg5[%swap3A_104, %swap3A_105], %get3A_103 {strides = array<i32>} : memref<8x4xf32, #tpu.memory_space<vmem>>, vector<8x4xf32>,
    } else {
    }
    return
  }
  func.func @transform_0(%arg0: i32) -> (i32, i32) {
    %c0_i32 = arith.constant 0 : i32
    %c0_i32_0 = arith.constant 0 : i32
    return %arg0, %c0_i32 : i32, i32
  }
  func.func @transform_1(%arg0: i32) -> (i32, i32) {
    %c0_i32 = arith.constant 0 : i32
    %c0_i32_0 = arith.constant 0 : i32
    %c0_i32_1 = arith.constant 0 : i32
    return %c0_i32, %c0_i32_0 : i32, i32
  }
  func.func @transform_2(%arg0: i32) -> (i32, i32) {
    %c0_i32 = arith.constant 0 : i32
    %c0_i32_0 = arith.constant 0 : i32
    return %c0_i32, %arg0 : i32, i32
  }
  func.func @transform_3(%arg0: i32) -> (i32, i32) {
    %c0_i32 = arith.constant 0 : i32
    %c0_i32_0 = arith.constant 0 : i32
    return %c0_i32, %arg0 : i32, i32
  }
  func.func @transform_4(%arg0: i32) -> (i32, i32) {
    %c0_i32 = arith.constant 0 : i32
    %c0_i32_0 = arith.constant 0 : i32
    %c0_i32_1 = arith.constant 0 : i32
    return %c0_i32, %c0_i32_0 : i32, i32
  }
}

</mosaic_0001>

<sc_bundles>
// kernel: kernel.4.cloned.1.call-start
scs
__scs_entry_jumppad:
0x0: {  	(pc) =	sbr.rel $0x88, $3  }
0x1: {  	(tag) =	ssettag $0x0;
	lr =	simm.s32 $0x1  }
0x2: {  	[smem:$0x3F9F] =	sst lr;
	_ =	strace $0xD0000000  }
0x3: {  	_ = 	snop  }
0x4: {  	_ = 	snop  }
0x5: {  	_ = 	snop  }
0x6: {  	_ = 	snop  }
0x7: {  	_ = 	snop  }
__scs_overlays_trampoline_lowered:
0x8: {  	[smem:$0x3FAE] =	sst s0  }
0x9: {  	[smem:$0x3FAF] =	sst s1  }
0xa: {  	[smem:$0x3FB0] =	sst s2  }
0xb: {  	[smem:$0x3FB1] =	sst s3  }
0xc: {  	[smem:$0x3FB2] =	sst s4  }
0xd: {  	[smem:$0x3FB3] =	sst s5  }
0xe: {  	[smem:$0x3FB4] =	sst s6  }
0xf: {  	[smem:$0x3FB5] =	sst s7  }
0x10: {  	[smem:$0x3FB6] =	sst s8  }
0x11: {  	[smem:$0x3FB7] =	sst s9;
	s0 =	simm.s32 @!p0 $0x0  }
0x12: {  	s1 =	sld [smem:$0x3F9D];
	s0 =	simm.s32 @p0 $0x1  }
0x13: {  	[smem:$0x3FB8] =	sst s0;
	s0 =	simm.s32 @!p1 $0x0  }
0x14: {  	s2 =	sld [smem:$0x3F9C];
	s0 =	simm.s32 @p1 $0x1  }
0x15: {  	[smem:$0x3FB9] =	sst s0;
	s0 =	simm.s32 @!p2 $0x0  }
0x16: {  	s3 =	sld [smem:$0x3FDB];
	s0 =	simm.s32 @p2 $0x1  }
0x17: {  	s4 =	simm.s32 $0x1BF5;
	[smem:$0x3FBB] =	sst s0  }
0x18: {  	s0 =	sld [smem:$0x3F9E];
	_ =	swait.ge [sflag:s4], $0x0  }
0x19: {  	s7 =	sld [smem:$0x3F9F]  }
0x1a: {  	s8 =	sadd.s32 $0xFFFFE003, lr  }
0x1b: {  	s9 =	sadd.s32 $0xFFFFFEF7, lr;
	s5 =	simm.s32 $0xFFFFFFFF;
	p2 =	slt.u32 s8, $0xFFFFF086  }
0x1c: {  	p1 =	slt.u32 s9, $0xF7A;
	s5 =	simm.s32 @!p2 $0x0  }
0x1d: {  	s5 =	simm.s32 @p1 $0x1;
	p0 =	seq.s32 s7, s2  }
0x1e: {  	s7 =	smul.u32 @!p0 $0xF7A, s2;
	p2 =	seq.s32 @!p0 s5, $0x0  }
0x1f: {  	s9 =	smul.u32 $0xF7A, s1;
	s8 =	simm.s32 @!p0 $0x1BF5;
	p2 =	por !p2, p0  }
0x20: {  	[sflag:s8] =	ssyncset.s32 @!p0 $0xFFFFF086;
	s6 =	sadd.s32 @!p0 s3, s7;
	s7 =	simm.s32 @!p0 $0x108  }
0x21: {  	s3 =	sadd.s32 s3, s9;
	s6 =	sadd.s32 @!p0 $0x88, s6;
	s7 =	simm.s32 @p2 $0x1082  }
0x22: {  	[simem:s7], [sflag:s8] =	dma.local @!p0 [hbm:s6], $0xF7A  }
0x23: {  	s9 =	sor.u32 $0xD0000000, s2;
	s6 =	simm.s32 $0x108;
	_ =	swait.ge @!p0 [sflag:s8], $0x0  }
0x24: {  	s3 =	sadd.s32 $0x88, s3;
	s6 =	simm.s32 @!p1 $0x1082;
	[sflag:s4] =	ssyncset.s32 $0xFFFFF086  }
0x25: {  	[simem:s6], [sflag:s4] =	dma.local [hbm:s3], $0xF7A  }
0x26: {  	[smem:$0x3F9F] =	sst s1;
	(tag) =	ssettag s2;
	_ =	strace s9  }
0x27: {  	s1 =	sld [smem:$0x3FAF]  }
0x28: {  	s2 =	sld [smem:$0x3FB0]  }
0x29: {  	s4 =	sld [smem:$0x3FB2]  }
0x2a: {  	p0 =	seq.s32 s5, $0x0;
	s5 =	sld [smem:$0x3FB3]  }
0x2b: {  	s6 =	sld [smem:$0x3FB4]  }
0x2c: {  	s7 =	sld [smem:$0x3FB5]  }
0x2d: {  	s3 =	simm.s32 $0x108;
	s8 =	sld [smem:$0x3FB6]  }
0x2e: {  	s3 =	simm.s32 @!p0 $0x1082;
	s9 =	sld [smem:$0x3FB7]  }
0x2f: {  	lr =	sadd.s32 s0, s3;
	s0 =	sld [smem:$0x3FAE]  }
0x30: {  	s3 =	sld [smem:$0x3FB1]  }
0x31: {  	[smem:$0x3FBA] =	sst s10  }
0x32: {  	s10 =	sld [smem:$0x3FB8];
	_ =	sdelay $0x3  }
0x33: {  	p0 =	seq.s32 s10, $0x1;
	s10 =	sld [smem:$0x3FBA];
	_ =	sdelay $0x3  }
0x34: {  	[smem:$0x3FBA] =	sst s10  }
0x35: {  	s10 =	sld [smem:$0x3FB9];
	_ =	sdelay $0x3  }
0x36: {  	p1 =	seq.s32 s10, $0x1;
	s10 =	sld [smem:$0x3FBA];
	_ =	sdelay $0x3  }
0x37: {  	[smem:$0x3FBA] =	sst s10  }
0x38: {  	s10 =	sld [smem:$0x3FBB]  }
0x39: {  	_ = 	snop;
	(pc) =	sbr.ind lr, $3  }
0x3a: {  	_ = 	snop  }
0x3b: {  	_ = 	snop  }
0x3c: {  	p2 =	seq.s32 s10, $0x1;
	s10 =	sld [smem:$0x3FBA]  }
0x3d: {  	_ =	shalt  }
0x3e: {  	_ =	shalt  }
0x3f: {  	_ =	shalt  }
0x40: {  	_ =	shalt  }
0x41: {  	_ =	shalt  }
0x42: {  	_ =	shalt  }
0x43: {  	_ =	shalt  }
0x44: {  	_ =	shalt  }
0x45: {  	_ =	shalt  }
0x46: {  	_ =	shalt  }
0x47: {  	_ =	shalt  }
0x48: {  	_ =	shalt  }
0x49: {  	_ =	shalt  }
0x4a: {  	_ =	shalt  }
0x4b: {  	_ =	shalt  }
0x4c: {  	_ =	shalt  }
0x4d: {  	_ =	shalt  }
0x4e: {  	_ =	shalt  }
0x4f: {  	_ =	shalt  }
0x50: {  	_ =	shalt  }
0x51: {  	_ =	shalt  }
0x52: {  	_ =	shalt  }
0x53: {  	_ =	shalt  }
0x54: {  	_ =	shalt  }
0x55: {  	_ =	shalt  }
0x56: {  	_ =	shalt  }
0x57: {  	_ =	shalt  }
0x58: {  	_ =	shalt  }
0x59: {  	_ =	shalt  }
0x5a: {  	_ =	shalt  }
0x5b: {  	_ =	shalt  }
0x5c: {  	_ =	shalt  }
0x5d: {  	_ =	shalt  }
0x5e: {  	_ =	shalt  }
0x5f: {  	_ =	shalt  }
0x60: {  	_ =	shalt  }
0x61: {  	_ =	shalt  }
0x62: {  	_ =	shalt  }
0x63: {  	_ =	shalt  }
0x64: {  	_ =	shalt  }
0x65: {  	_ =	shalt  }
0x66: {  	_ =	shalt  }
0x67: {  	_ =	shalt  }
0x68: {  	_ =	shalt  }
0x69: {  	_ =	shalt  }
0x6a: {  	_ =	shalt  }
0x6b: {  	_ =	shalt  }
0x6c: {  	_ =	shalt  }
0x6d: {  	_ =	shalt  }
0x6e: {  	_ =	shalt  }
0x6f: {  	_ =	shalt  }
0x70: {  	_ =	shalt  }
0x71: {  	_ =	shalt  }
0x72: {  	_ =	shalt  }
0x73: {  	_ =	shalt  }
0x74: {  	_ =	shalt  }
0x75: {  	_ =	shalt  }
0x76: {  	_ =	shalt  }
0x77: {  	_ =	shalt  }
0x78: {  	_ =	shalt  }
0x79: {  	_ =	shalt  }
0x7a: {  	_ =	shalt  }
0x7b: {  	_ =	shalt  }
0x7c: {  	_ =	shalt  }
0x7d: {  	_ =	shalt  }
0x7e: {  	_ =	shalt  }
0x7f: {  	_ =	shalt  }
0x80: {  	_ =	shalt  }
0x81: {  	_ =	shalt  }
0x82: {  	_ =	shalt  }
0x83: {  	_ =	shalt  }
0x84: {  	_ =	shalt  }
0x85: {  	_ =	shalt  }
0x86: {  	_ =	shalt  }
0x87: {  	_ =	shalt  }
.Lfunc_end0:
.L_simem_size_0:
called_computation_lowered:
.L_overlay_start_0:
0x88: {  	s2 =	sld [smem:$0x3FD9]  }
0x89: {  	s3 =	sld [smem:$0x3FFE];
	_ =	sdelay $0x1  }
0x8a: {  	s1 =	srdreg.scid  }
0x8b: {  	s0 =	sand.u32 $0x1, s1  }
0x8c: {  	s14 =	sshll.u32 s0, $0xA;
	s2 =	sadd.s32 s3, s2  }
0x8d: {  	s2 =	sadd.s32 s2, s14  }
0x8e: {  	[smem:$0x3FC6] =	sst s2  }
0x8f: {  	_ = 	snop  }
0x90: {  	s2 =	sld [smem:$0x3FD0];
	_ =	sdelay $0x2  }
0x91: {  	s15 =	simm.s32 $0xA;
	s4 =	simm.s32 $0x10  }
0x92: {  	[smem:s4], [sflag:s15] =	dma.local [hbm:s2], $0x1  }
0x93: {  	_ =	swait.eq [sflag:s15], $0x1  }
0x94: {  	[sflag:s15] =	ssyncset.done $0x0  }
0x95: {  	[sflag:s15] =	ssyncadd.s32 $0xFFFFFFFF  }
0x96: {  	s16 =	sld [smem:$0x12];
	(tm) =	ssettm $0x1  }
0x97: {  	s17 =	sld [smem:$0x3FFB];
	_ =	sdelay $0x3  }
0x98: {  	_ =	strace s17  }
0x99: {  	s3 =	sld [smem:$0x3FFC];
	_ =	sdelay $0x3  }
0x9a: {  	_ =	strace s3  }
0x9b: {  	s3 =	sld [smem:$0x3FFD];
	_ =	sdelay $0x3  }
0x9c: {  	_ =	strace s3  }
0x9d: {  	_ =	strace $0x8FFFFFFF  }
0x9e: {  	s18 =	sld [smem:$0x3FDB];
	_ =	sdelay $0x1  }
0x9f: {  	s19 =	simm.s32 $_scs_section_size  }
0xa0: {  	s5 =	simm.s32 $_size__tile_overlayer_lowered;
	s6 =	simm.s32 $_tile_overlayer_lowered  }
0xa1: {  	s22 =	simm.s32 $0x1BFF;
	s21 =	sshll.u32 s6, $0x1;
	s3 =	sadd.s32 s19, s18  }
0xa2: {  	s7 =	simm.s32 $0x0;
	s20 =	sshll.u32 s5, $0x1;
	s5 =	sadd.s32 s21, s3  }
0xa3: {  	[timem:s7], [sflag:s22] =	dma.local [hbm:s5], s20  }
0xa4: {  	_ =	swait.ge [sflag:s22], s20  }
0xa5: {  	s4 =	ssub.s32 $0x0, s20;
	[sflag:s22] =	ssyncset.done $0x0  }
0xa6: {  	[sflag:s22] =	ssyncadd.s32 s4;
	_ =	sdelay $0x1  }
0xa7: {  	s23 =	simm.s32 $0x1B8B  }
0xa8: {  	_ =	swait.ge [sflag:s23], $0x1  }
0xa9: {  	[sflag:s23] =	ssyncset.done $0x0  }
0xaa: {  	s25 =	simm.s32 $0x1B8E;
	s24 =	sld [smem:$0x3FFE];
	[sflag:s23] =	ssyncadd.s32 $0xFFFFFFFF  }
0xab: {  	s26 =	simm.s32 $execute0_lowered;
	[smem:$0x3FD2] =	sst s25  }
0xac: {  	s5 =	sshll.u32 s26, $0x1;
	_ =	strace $0x80000046;
	[dreg:$0x1] =	wrdreg $0xFFFFFFFF  }
0xad: {  	s28 =	simm.s32 $_size_execute0_lowered;
	s3 =	sadd.s32 s3, s5;
	[dreg:$0x0] =	wrdreg $0x0  }
0xae: {  	s5 =	sshll.u32 s28, $0x1;
	[dreg:$0x2] =	wrdreg s3  }
0xaf: {  	[dreg:$0x3] =	wrdreg s5  }
0xb0: {  	[dreg:$0x4] =	wrdreg $0xC0  }
0xb1: {  	_ =	task [dreg:s7], $0x5FFFF  }
0xb2: {  	[dreg:$0x1] =	wrdreg $0xFFFFFFFF  }
0xb3: {  	[dreg:$0x0] =	wrdreg $0x60  }
0xb4: {  	[dreg:$0x2] =	wrdreg s16  }
0xb5: {  	[dreg:$0x3] =	wrdreg s24  }
0xb6: {  	[dreg:$0x4] =	wrdreg $0x9  }
0xb7: {  	_ =	task.clear_ibuf [dreg:s7], $0x5FFFF;
	_ =	strace $0x90000046  }
0xb8: {  	s29 =	simm.s32 $0x9;
	_ =	strace $0x80000048  }
0xb9: {  	_ =	swait.ge [sflag:s29], $0x1  }
0xba: {  	[sflag:s29] =	ssyncadd.s32 $0xFFFFFFFF  }
0xbb: {  	_ =	strace $0x90000048  }
0xbc: {  	_ =	sfence  }
0xbd: {  	s30 =	sld [smem:$0x0];
	_ =	sdelay $0x2  }
0xbe: {  	s31 =	sshll.u32 s1, $0xD;
	s1 =	sshrl.u32 s1, $0x2  }
0xbf: {  	s3 =	sand.u32 $0x4000, s31;
	s1 =	sadd.s32 s1, s30  }
0xc0: {  	s0 =	sor.u32 s3, s0;
	s1 =	sshll.u32 s1, $0x11  }
0xc1: {  	s0 =	sor.u32 s1, s0  }
0xc2: {  	s0 =	sadd.s32 $0x8F2B, s0  }
0xc3: {  	[sflag:s0] =	ssyncadd.remote.s32 $0x1  }
0xc4: {  	_ =	sfence.sel $0xFFFF  }
0xc5: {  	[dreg:$0x0] =	wrdreg $0xFFFFFFFF;
	(pc) =	sbr.abs _section_cstart, $3  }
0xc6: {  	[dreg:$0x1] =	wrdreg $0xFFFFFFFF  }
0xc7: {  	_ =	task.clear_ibuf [dreg:s7], $0x2FFFF;
	_ =	strace $0x9FFFFFFF  }
0xc8: {  	(tm) =	ssettm $0x7FFFFFFF  }
0xc9: {  	_ =	shalt  }
tec
execute0_lowered:
.L_overlay_start_1:
0x0: {  	(tag) =	ssettag $0x1  }
0x1: {  	s2 =	rddreg [dreg:$0x0]  }
0x2: {  	s6 =	rddreg [dreg:$0x1]  }
0x3: {  	s0 =	rddreg [dreg:$0x2];
	s1 =	simm.s32 $0x0  }
0x4: {  	[smem:$0x7FF] =	sst s1  }
0x5: {  	s5 =	simm.s32 $0x80;
	s3 =	simm.s32 $0x1;
	_ =	strace $0x80000047  }
0x6: {  	[tilespmem:s5], [sflag:$0x1] =	stream.linear.gather [hbm4b:s2+s1], $0x20, $0x38;
	[tilespmem:$0xB0] =	vst v63  }
0x7: {  	_ =	swait.ge [sflag:s3], $0x20  }
0x8: {  	[sflag:s3] =	ssyncset.done $0x0  }
0x9: {  	v0 =	vimm.f32 $0.0e+00;
	[sflag:s3] =	ssyncadd.s32 $0xFFFFFFE0  }
0xa: {  	[tilespmem:$0x70] =	vst v0  }
0xb: {  	s4 =	stileid.u32;
	[tilespmem:$0x60] =	vst v0  }
0xc: {  	s7 =	sshrl.u32 s4, $0x2;
	[tilespmem:$0x50] =	vst v0  }
0xd: {  	v1 =	vmov s7;
	[tilespmem:$0x40] =	vst v0  }
0xe: {  	[tilespmem:$0x30] =	vst v0  }
0xf: {  	v2 =	vor.u32 $0x4, v1;
	[tilespmem:$0x20] =	vst v0  }
0x10: {  	[tilespmem:$0x0] =	vst v0  }
0x11: {  	v3 =	vor.u32 $0x8, v1;
	[tilespmem:$0x10] =	vst v0  }
0x12: {  	v7 =	vld.idx.msk [tilespmem:v1+s5+$0x0], $0xffff  }
0x13: {  	v4 =	vor.u32 $0xC, v1  }
0x14: {  	v8 =	vld.idx.msk [tilespmem:v2+s5+$0x0], $0xffff  }
0x15: {  	v5 =	vor.u32 $0x10, v1  }
0x16: {  	v9 =	vld.idx.msk [tilespmem:v3+s5+$0x0], $0xffff  }
0x17: {  	v6 =	vor.u32 $0x14, v1;
	v10 =	vmul.f32 $0.0e+00, v7  }
0x18: {  	v11 =	vld.idx.msk [tilespmem:v4+s5+$0x0], $0xffff  }
0x19: {  	v7 =	vor.u32 $0x18, v1;
	v12 =	vmul.f32 $0.0e+00, v8;
	v10 =	vadd.f32 $0.0e+00, v10  }
0x1a: {  	s30 =	srdreg.scid;
	v13 =	vld.idx.msk [tilespmem:v5+s5+$0x0], $0xffff  }
0x1b: {  	s7 =	sand.u32 $0x1, s30;
	v8 =	vor.u32 $0x1C, v1;
	v9 =	vmul.f32 $0.0e+00, v9;
	v10 =	vadd.f32 v12, v10  }
0x1c: {  	s8 =	ssub.s32 $0x2, s7;
	v63 =	vld.idx.msk [tilespmem:v6+s5+$0x0], $0xffff  }
0x1d: {  	s9 =	sshrl.u32 s8, $0x1;
	v11 =	vmul.f32 $0.0e+00, v11;
	v9 =	vadd.f32 v9, v10  }
0x1e: {  	s8 =	ssub.s32 s8, s9;
	v10 =	vld.idx.msk [tilespmem:v7+s5+$0x0], $0xffff  }
0x1f: {  	s8 =	smax.u32 s8, $0x1;
	v13 =	vmul.f32 $0.0e+00, v13;
	v9 =	vadd.f32 v11, v9  }
0x20: {  	p0 =	sne.s32 s8, $0x1;
	v11 =	vld.idx.msk [tilespmem:v8+s5+$0x0], $0xffff  }
.Ltmp0:
0x21: {  	v12 =	vmul.f32 $0.0e+00, v63;
	v9 =	vadd.f32 v13, v9;
	(pc) =	sbr.rel @!p0 .LBB2_2-.Ltmp0, $4  }
0x22: {  	s7 =	sshll.u32 s7, $0x1  }
0x23: {  	s31 =	sshll.u32 s4, $0x2;
	s6 =	sadd.s32 s7, s6;
	v10 =	vmul.f32 $0.0e+00, v10;
	v12 =	vadd.f32 v12, v9  }
0x24: {  	s6 =	sadd.s32 s31, s6  }
0x25: {  	s7 =	simm.s32 $0xA0;
	s6 =	sadd.s32 $0x800, s6;
	s8 =	sadd.s32 $0xFFFFFFFF, s8;
	v9 =	vmul.f32 $0.0e+00, v11;
	v10 =	vadd.f32 v10, v12  }
.LBB2_1:
0x26: {  	p0 =	sne.s32 s8, $0x1;
	s8 =	sadd.s32 $0xFFFFFFFF, s8  }
0x27: {  	v9 =	vadd.f32 v9, v10;
	_ =	sdelay $0x1  }
0x28: {  	[tilespmem:$0xA0] =	vst v9  }
0x29: {  	[hbm4b:s6+s1] =	stream.linear.scatter [tilespmem:s7], [sflag:$0x1], $0x10, $0x38;
	[tilespmem:$0xB0] =	vst v63  }
0x2a: {  	_ =	swait.ge [sflag:s3], $0x10  }
0x2b: {  	[sflag:s3] =	ssyncset.done $0x0  }
0x2c: {  	[sflag:s3] =	ssyncadd.s32 $0xFFFFFFF0  }
0x2d: {  	[tilespmem:s5], [sflag:$0x1] =	stream.linear.gather [hbm4b:s2+s1], $0x20, $0x38;
	[tilespmem:$0xB0] =	vst v63  }
0x2e: {  	_ =	swait.ge [sflag:s3], $0x20  }
0x2f: {  	[sflag:s3] =	ssyncset.done $0x0  }
0x30: {  	[sflag:s3] =	ssyncadd.s32 $0xFFFFFFE0  }
0x31: {  	[tilespmem:$0x70] =	vst v0  }
0x32: {  	[tilespmem:$0x60] =	vst v0  }
0x33: {  	[tilespmem:$0x50] =	vst v0  }
0x34: {  	[tilespmem:$0x40] =	vst v0  }
0x35: {  	[tilespmem:$0x30] =	vst v0  }
0x36: {  	[tilespmem:$0x20] =	vst v0  }
0x37: {  	[tilespmem:$0x0] =	vst v0  }
0x38: {  	[tilespmem:$0x10] =	vst v0  }
0x39: {  	v9 =	vld.idx.msk [tilespmem:v1+s5+$0x0], $0xffff  }
0x3a: {  	v10 =	vld.idx.msk [tilespmem:v2+s5+$0x0], $0xffff  }
0x3b: {  	v11 =	vld.idx.msk [tilespmem:v3+s5+$0x0], $0xffff  }
0x3c: {  	v12 =	vld.idx.msk [tilespmem:v4+s5+$0x0], $0xffff  }
0x3d: {  	v13 =	vld.idx.msk [tilespmem:v5+s5+$0x0], $0xffff  }
0x3e: {  	v14 =	vld.idx.msk [tilespmem:v6+s5+$0x0], $0xffff  }
0x3f: {  	v9 =	vmul.f32 $0.0e+00, v9;
	v15 =	vld.idx.msk [tilespmem:v7+s5+$0x0], $0xffff  }
0x40: {  	v10 =	vmul.f32 $0.0e+00, v10;
	v16 =	vld.idx.msk [tilespmem:v8+s5+$0x0], $0xffff  }
0x41: {  	v9 =	vadd.f32 $0.0e+00, v9  }
0x42: {  	v11 =	vmul.f32 $0.0e+00, v11  }
0x43: {  	v9 =	vadd.f32 v10, v9  }
0x44: {  	v10 =	vmul.f32 $0.0e+00, v12  }
0x45: {  	v9 =	vadd.f32 v11, v9  }
0x46: {  	v11 =	vmul.f32 $0.0e+00, v13  }
0x47: {  	v9 =	vadd.f32 v10, v9  }
0x48: {  	v10 =	vmul.f32 $0.0e+00, v14  }
.Ltmp1:
0x49: {  	v9 =	vadd.f32 v11, v9;
	(pc) =	sbr.rel @p0 .LBB2_1-.Ltmp1, $4  }
0x4a: {  	v11 =	vmul.f32 $0.0e+00, v15  }
0x4b: {  	v10 =	vadd.f32 v10, v9  }
0x4c: {  	v9 =	vmul.f32 $0.0e+00, v16  }
0x4d: {  	v10 =	vadd.f32 v11, v10  }
.LBB2_2:
0x4e: {  	_ = 	snop  }
0x4f: {  	v0 =	vadd.f32 v9, v10;
	_ =	sdelay $0x1  }
0x50: {  	[tilespmem:$0xA0] =	vst v0  }
0x51: {  	[hbm4b:s6+s1] =	stream.linear.scatter [tilespmem:s7], [sflag:$0x1], $0x10, $0x38;
	[tilespmem:$0xB0] =	vst v63  }
0x52: {  	_ =	swait.ge [sflag:s3], $0x10  }
0x53: {  	[sflag:s3] =	ssyncset.done $0x0  }
0x54: {  	[sflag:s3] =	ssyncadd.s32 $0xFFFFFFF0  }
0x55: {  	_ =	sfence.sel $0x180000  }
0x56: {  	[bflag:$0x0] =	sbarrier.arrive $0xFFFF  }
0x57: {  	p0 =	sne.s32 s4, $0x0;
	_ =	strace $0x90000047  }
0x58: {  	s0 =	sadd.s32 @!p0 $0x100000, s0;
	[bflag:$0x2] =	sbarrier.arrive $0xFFFF  }
0x59: {  	[sflag:s0] =	ssyncadd.tile.s32 @!p0 $0x1;
	_ =	shalt  }
.Lfunc_end2:
_tile_overlayer_lowered:
.L_overlay_start_2:
0x5a: {  	(tag) =	ssettag $0x2  }
0x5b: {  	s0 =	rddreg [dreg:$0x0];
	s2 =	stileid.u32  }
0x5c: {  	s1 =	rddreg [dreg:$0x1];
	p0 =	sne.s32 s2, $0x0  }
0x5d: {  	s3 =	rddreg [dreg:$0x2];
	[bflag:$0x3] =	sbarrier.arrive $0xFFFF;
	s2 =	simm.s32 @!p0 $0x1C01  }
0x5e: {  	[timem:s3], [sflag:s2] =	dma.local @!p0 [hbm:s0], s1  }
0x5f: {  	s0 =	simm.s32 @!p0 $0x1  }
0x60: {  	_ =	swait.ge @!p0 [sflag:s0], s1  }
0x61: {  	s1 =	ssub.s32 @!p0 $0x0, s1;
	[sflag:s0] =	ssyncset.done @!p0 $0x0  }
0x62: {  	[sflag:s0] =	ssyncadd.s32 @!p0 s1  }
0x63: {  	[bflag:$0x3] =	sbarrier.arrive $0xFFFF  }
0x64: {  	_ =	shalt  }

</sc_bundles>
